<compile_context>
chip_gen: v7x
topology: tpu7x:2x2x1
jax: 0.10.2.dev20260603
libtpu: 0.0.44.dev20260713+nightly
codegen_flags: <defaults>
</compile_context>

<pallas_src>
import functools

import jax
import jax.numpy as jnp
from jax import lax
from jax.experimental import pallas as pl
from jax.experimental.pallas import tpu as pltpu
from jax.experimental.pallas import tpu_sc as plsc

GRID_H, GRID_W, EMBED_DIM = 24, 24, 96
B, P = 1024, 576
N = B * P
NUM_CORES, NUM_SUBCORES = 2, 16
NW = NUM_CORES * NUM_SUBCORES
ROWS_PER_W = N // NW
CHUNK = 128
STEPS = ROWS_PER_W // CHUNK
LANES = 16

_mesh = plsc.VectorSubcoreMesh(core_axis_name="c", subcore_axis_name="s")


@functools.partial(
    pl.kernel,
    mesh=_mesh,
    out_type=jax.ShapeDtypeStruct((N, EMBED_DIM), jnp.float32),
    scratch_types=[
        pltpu.VMEM((ROWS_PER_W,), jnp.int32),
        pltpu.VMEM((ROWS_PER_W,), jnp.int32),
        pltpu.VMEM((2, CHUNK, EMBED_DIM), jnp.float32),
        pltpu.SemaphoreType.DMA,
        pltpu.SemaphoreType.DMA,
        pltpu.SemaphoreType.DMA,
    ],
    compiler_params=pltpu.CompilerParams(use_tc_tiling_on_sc=False),
)
def _sc_gather(x_hbm, y_hbm, table_hbm, out_hbm, x_v, idx_v, rows_v, gsem, ssem0, ssem1):
    wid = lax.axis_index("s") * NUM_CORES + lax.axis_index("c")
    base = wid * ROWS_PER_W

    pltpu.sync_copy(x_hbm.at[pl.ds(base, ROWS_PER_W)], x_v)
    pltpu.sync_copy(y_hbm.at[pl.ds(base, ROWS_PER_W)], idx_v)

    def idx_body(i, _):
        s = pl.ds(i * LANES, LANES)
        idx_v[s] = x_v[s] * GRID_W + idx_v[s]
        return ()

    lax.fori_loop(0, ROWS_PER_W // LANES, idx_body, ())

    ssems = (ssem0, ssem1)

    def gather(j, slot):
        return pltpu.async_copy(
            table_hbm.at[idx_v.at[pl.ds(j * CHUNK, CHUNK)]],
            rows_v.at[slot],
            gsem,
        )

    def store(j, slot):
        pltpu.async_copy(
            rows_v.at[slot],
            out_hbm.at[pl.ds(base + j * CHUNK, CHUNK)],
            ssems[slot],
        )

    def drain_store(slot):
        pltpu.make_async_copy(
            rows_v.at[slot],
            out_hbm.at[pl.ds(base, CHUNK)],
            ssems[slot],
        ).wait()

    gather(0, 0).wait()
    store(0, 0)
    gather(1, 1).wait()
    store(1, 1)

    def body(i, _):
        for slot in (0, 1):
            j = i * 2 + slot
            drain_store(slot)
            gather(j, slot).wait()
            store(j, slot)
        return ()

    lax.fori_loop(1, STEPS // 2, body, ())
    drain_store(0)
    drain_store(1)


def kernel(x, y, embeddings):
    table = embeddings.reshape(GRID_H * GRID_W, EMBED_DIM)
    out = _sc_gather(x.reshape(N), y.reshape(N), table)
    return out.reshape(B, P, EMBED_DIM)

# --- scband reference (transcript-rebuilt; emitter-appended) ---
"""Pipeline reference for scband-grid-position-embedder2d-25262997635194 (READ-ONLY COPY).

The authoritative reference and input builder live on the scoring server;
editing this copy changes nothing except your own understanding.
"""

import jax, jax.numpy as jnp
import numpy as np

GRID_H, GRID_W = 24, 24
EMBED_DIM = 96
B, P = 1024, 576


def setup_inputs(seed: int = 0) -> dict:
    key = jax.random.key(seed)
    k1, k2, k3 = jax.random.split(key, 3)
    x = jax.random.randint(k1, (B, P), 0, GRID_H, dtype=jnp.int32)
    y = jax.random.randint(k2, (B, P), 0, GRID_W, dtype=jnp.int32)
    embeddings = jax.random.normal(k3, (GRID_H, GRID_W, EMBED_DIM), dtype=jnp.float32)
    return {"x": x, "y": y, "embeddings": embeddings}


def reference(x, y, embeddings):
    # Faithful translation of: return self.embeddings[x, y]
    # Advanced integer indexing on the first two dims -> gather.
    return embeddings[x, y]

if __name__ == "__main__":
    import jax
    _d = setup_inputs()
    print(jax.jit(kernel)(*tuple(_d.values())))

</pallas_src>

<mosaic_0001>
#map = affine_map<(d0, d1) -> (0)>
#map1 = affine_map<(d0, d1) -> (0, 0)>
module attributes {stable_mosaic.version = 14 : i64} {
  func.func @_sc_gather(%arg0: i32, %arg1: i32, %arg2: memref<589824xi32, #tpu.memory_space<hbm>>, %arg3: memref<589824xi32, #tpu.memory_space<hbm>>, %arg4: memref<576x96xf32, #tpu.memory_space<hbm>>, %arg5: memref<589824x96xf32, #tpu.memory_space<hbm>>, %arg6: memref<18432xi32, #tpu.memory_space<vmem>>, %arg7: memref<18432xi32, #tpu.memory_space<vmem>>, %arg8: memref<2x128x96xf32, #tpu.memory_space<vmem>>, %arg9: memref<!tpu.dma_semaphore, #tpu.memory_space<semaphore_mem>>, %arg10: memref<!tpu.dma_semaphore, #tpu.memory_space<semaphore_mem>>, %arg11: memref<!tpu.dma_semaphore, #tpu.memory_space<semaphore_mem>>) attributes {dimension_semantics = [#tpu.dimension_semantics<core_parallel>, #tpu.dimension_semantics<subcore_parallel>], iteration_bounds = array<i64: 2, 16>, scalar_prefetch = 0 : i64, scratch_operands = 6 : i64, tpu.core_type = #tpu.core_type<sc_vector_subcore>, window_params = [{transform_indices = #map}, {transform_indices = #map}, {transform_indices = #map1}, {transform_indices = #map1}]} {
    %mul3A = arith.constant 2 : i32
    %mul3A_0 = arith.muli %arg1, %mul3A : i32
    %add3A = arith.addi %mul3A_0, %arg0 : i32
    %mul3A_1 = arith.constant 18432 : i32
    %mul3A_2 = arith.muli %add3A, %mul3A_1 : i32
    "tpu.region"() ({
      %run_scoped3A = tpu.sem_alloc : memref<!tpu.dma_semaphore, #tpu.memory_space<semaphore_mem>>
      %dma_start3A_106 = tpu.memref_slice %arg2[%mul3A_2] : memref<589824xi32, #tpu.memory_space<hbm>> -> memref<18432xi32, #tpu.memory_space<hbm>>
      %dma_start3A_107 = tpu.memref_slice %arg2[%mul3A_2] : memref<589824xi32, #tpu.memory_space<hbm>> -> memref<18432xi32, #tpu.memory_space<hbm>>
      tpu.enqueue_dma source(%dma_start3A_107 : memref<18432xi32, #tpu.memory_space<hbm>>) target(%arg6 : memref<18432xi32, #tpu.memory_space<vmem>>) target_semaphore(%run_scoped3A : memref<!tpu.dma_semaphore, #tpu.memory_space<semaphore_mem>>)
      %dma_wait3A_108 = tpu.memref_slice %arg2[%mul3A_2] : memref<589824xi32, #tpu.memory_space<hbm>> -> memref<18432xi32, #tpu.memory_space<hbm>>
      %dma_wait3A_109 = tpu.memref_slice %arg2[%mul3A_2] : memref<589824xi32, #tpu.memory_space<hbm>> -> memref<18432xi32, #tpu.memory_space<hbm>>
      tpu.wait_dma2 semaphore(%run_scoped3A : memref<!tpu.dma_semaphore, #tpu.memory_space<semaphore_mem>>) src(%dma_wait3A_109 : memref<18432xi32, #tpu.memory_space<hbm>>) dst(%arg6 : memref<18432xi32, #tpu.memory_space<vmem>>)
      tpu.yield
    }) : () -> ()
    "tpu.region"() ({
      %run_scoped3A = tpu.sem_alloc : memref<!tpu.dma_semaphore, #tpu.memory_space<semaphore_mem>>
      %dma_start3A_106 = tpu.memref_slice %arg3[%mul3A_2] : memref<589824xi32, #tpu.memory_space<hbm>> -> memref<18432xi32, #tpu.memory_space<hbm>>
      %dma_start3A_107 = tpu.memref_slice %arg3[%mul3A_2] : memref<589824xi32, #tpu.memory_space<hbm>> -> memref<18432xi32, #tpu.memory_space<hbm>>
      tpu.enqueue_dma source(%dma_start3A_107 : memref<18432xi32, #tpu.memory_space<hbm>>) target(%arg7 : memref<18432xi32, #tpu.memory_space<vmem>>) target_semaphore(%run_scoped3A : memref<!tpu.dma_semaphore, #tpu.memory_space<semaphore_mem>>)
      %dma_wait3A_108 = tpu.memref_slice %arg3[%mul3A_2] : memref<589824xi32, #tpu.memory_space<hbm>> -> memref<18432xi32, #tpu.memory_space<hbm>>
      %dma_wait3A_109 = tpu.memref_slice %arg3[%mul3A_2] : memref<589824xi32, #tpu.memory_space<hbm>> -> memref<18432xi32, #tpu.memory_space<hbm>>
      tpu.wait_dma2 semaphore(%run_scoped3A : memref<!tpu.dma_semaphore, #tpu.memory_space<semaphore_mem>>) src(%dma_wait3A_109 : memref<18432xi32, #tpu.memory_space<hbm>>) dst(%arg7 : memref<18432xi32, #tpu.memory_space<vmem>>)
      tpu.yield
    }) : () -> ()
    %scan3A = arith.constant 0 : i32
    %scan3A_3 = arith.constant 1152 : i32
    %scan3A_4 = arith.addi %scan3A, %scan3A_3 : i32
    %scan3A_5 = arith.constant 1 : i32
    scf.for %scan3A_106 = %scan3A to %scan3A_4 step %scan3A_5  : i32 {
      %mul3A_107 = arith.constant 16 : i32
      %mul3A_108 = arith.muli %scan3A_106, %mul3A_107 : i32
      %get3A = arith.index_cast %mul3A_108 : i32 to index
      %get3A_109 = tpu.vector_load %arg6[%get3A] {strides = array<i32>} : memref<18432xi32, #tpu.memory_space<vmem>>, vector<16xi32>,
      %get3A_110 = vector.shape_cast %get3A_109 : vector<16xi32> to vector<16xi32>
      %mul3A_111 = arith.constant 24 : i32
      %mul3A_112 = vector.broadcast %mul3A_111 : i32 to vector<16xi32>
      %mul3A_113 = arith.muli %get3A_110, %mul3A_112 : vector<16xi32>
      %get3A_114 = arith.index_cast %mul3A_108 : i32 to index
      %get3A_115 = tpu.vector_load %arg7[%get3A_114] {strides = array<i32>} : memref<18432xi32, #tpu.memory_space<vmem>>, vector<16xi32>,
      %get3A_116 = vector.shape_cast %get3A_115 : vector<16xi32> to vector<16xi32>
      %add3A_117 = arith.addi %mul3A_113, %get3A_116 : vector<16xi32>
      %swap3A = arith.index_cast %mul3A_108 : i32 to index
      %swap3A_118 = tpu.vector_load %arg7[%swap3A] {strides = array<i32>} : memref<18432xi32, #tpu.memory_space<vmem>>, vector<16xi32>,
      %swap3A_119 = vector.shape_cast %swap3A_118 : vector<16xi32> to vector<16xi32>
      %swap3A_120 = vector.shape_cast %add3A_117 : vector<16xi32> to vector<16xi32>
      tpu.vector_store %arg7[%swap3A], %swap3A_120 {strides = array<i32>} : memref<18432xi32, #tpu.memory_space<vmem>>, vector<16xi32>,
    }
    %scan3A_6 = arith.constant 1152 : i32
    %dma_start3A = arith.constant 0 : i32
    %dma_start3A_7 = arith.constant 0 : i32
    %dma_start3A_8 = arith.constant 0 : i32
    %dma_start3A_9 = tpu.memref_slice %arg8[%dma_start3A, %dma_start3A_7, %dma_start3A_8] : memref<2x128x96xf32, #tpu.memory_space<vmem>> -> memref<1x128x96xf32, #tpu.memory_space<vmem>>
    %dma_start3A_10 = tpu.memref_squeeze %dma_start3A_9 : memref<1x128x96xf32, #tpu.memory_space<vmem>> -> memref<128x96xf32, #tpu.memory_space<vmem>>
    %dma_start3A_11 = arith.constant 0 : i32
    %dma_start3A_12 = tpu.memref_slice %arg7[%dma_start3A_11] : memref<18432xi32, #tpu.memory_space<vmem>> -> memref<128xi32, #tpu.memory_space<vmem>>
    %dma_start3A_13 = arith.constant 0 : i32
    %dma_start3A_14 = arith.constant 0 : i32
    %dma_start3A_15 = tpu.memref_slice %arg4[%dma_start3A_13, %dma_start3A_14] : memref<576x96xf32, #tpu.memory_space<hbm>> -> memref<576x96xf32, #tpu.memory_space<hbm>>
    tpu.enqueue_indirect_dma source(%dma_start3A_15 : memref<576x96xf32, #tpu.memory_space<hbm>>) target(%dma_start3A_10 : memref<128x96xf32, #tpu.memory_space<vmem>>) offsets(%dma_start3A_12 : memref<128xi32, #tpu.memory_space<vmem>>) semaphore(%arg9 : memref<!tpu.dma_semaphore, #tpu.memory_space<semaphore_mem>>)
    %dma_wait3A = arith.constant 0 : i32
    %dma_wait3A_16 = arith.constant 0 : i32
    %dma_wait3A_17 = arith.constant 0 : i32
    %dma_wait3A_18 = tpu.memref_slice %arg8[%dma_wait3A, %dma_wait3A_16, %dma_wait3A_17] : memref<2x128x96xf32, #tpu.memory_space<vmem>> -> memref<1x128x96xf32, #tpu.memory_space<vmem>>
    %dma_wait3A_19 = tpu.memref_squeeze %dma_wait3A_18 : memref<1x128x96xf32, #tpu.memory_space<vmem>> -> memref<128x96xf32, #tpu.memory_space<vmem>>
    %dma_wait3A_20 = arith.constant 0 : i32
    %dma_wait3A_21 = tpu.memref_slice %arg7[%dma_wait3A_20] : memref<18432xi32, #tpu.memory_space<vmem>> -> memref<128xi32, #tpu.memory_space<vmem>>
    %dma_wait3A_22 = arith.constant 0 : i32
    %dma_wait3A_23 = arith.constant 0 : i32
    %dma_wait3A_24 = tpu.memref_slice %arg4[%dma_wait3A_22, %dma_wait3A_23] : memref<576x96xf32, #tpu.memory_space<hbm>> -> memref<576x96xf32, #tpu.memory_space<hbm>>
    tpu.wait_indirect_dma semaphore(%arg9 : memref<!tpu.dma_semaphore, #tpu.memory_space<semaphore_mem>>) src(%dma_wait3A_24 : memref<576x96xf32, #tpu.memory_space<hbm>>) dst(%dma_wait3A_19 : memref<128x96xf32, #tpu.memory_space<vmem>>)
    %add3A_25 = arith.constant 0 : i32
    %add3A_26 = arith.addi %mul3A_2, %add3A_25 : i32
    %dma_start3A_27 = arith.constant 0 : i32
    %dma_start3A_28 = arith.constant 0 : i32
    %dma_start3A_29 = arith.constant 0 : i32
    %dma_start3A_30 = tpu.memref_slice %arg8[%dma_start3A_27, %dma_start3A_28, %dma_start3A_29] : memref<2x128x96xf32, #tpu.memory_space<vmem>> -> memref<1x128x96xf32, #tpu.memory_space<vmem>>
    %dma_start3A_31 = tpu.memref_squeeze %dma_start3A_30 : memref<1x128x96xf32, #tpu.memory_space<vmem>> -> memref<128x96xf32, #tpu.memory_space<vmem>>
    %dma_start3A_32 = arith.constant 0 : i32
    %dma_start3A_33 = tpu.memref_slice %arg5[%add3A_26, %dma_start3A_32] : memref<589824x96xf32, #tpu.memory_space<hbm>> -> memref<128x96xf32, #tpu.memory_space<hbm>>
    %dma_start3A_34 = arith.constant 0 : i32
    %dma_start3A_35 = tpu.memref_slice %arg5[%add3A_26, %dma_start3A_34] : memref<589824x96xf32, #tpu.memory_space<hbm>> -> memref<128x96xf32, #tpu.memory_space<hbm>>
    %dma_start3A_36 = arith.constant 0 : i32
    %dma_start3A_37 = arith.constant 0 : i32
    %dma_start3A_38 = tpu.memref_slice %arg8[%dma_start3A_27, %dma_start3A_36, %dma_start3A_37] : memref<2x128x96xf32, #tpu.memory_space<vmem>> -> memref<1x128x96xf32, #tpu.memory_space<vmem>>
    %dma_start3A_39 = tpu.memref_squeeze %dma_start3A_38 : memref<1x128x96xf32, #tpu.memory_space<vmem>> -> memref<128x96xf32, #tpu.memory_space<vmem>>
    tpu.enqueue_dma source(%dma_start3A_39 : memref<128x96xf32, #tpu.memory_space<vmem>>) target(%dma_start3A_35 : memref<128x96xf32, #tpu.memory_space<hbm>>) target_semaphore(%arg10 : memref<!tpu.dma_semaphore, #tpu.memory_space<semaphore_mem>>)
    %dma_start3A_40 = arith.constant 1 : i32
    %dma_start3A_41 = arith.constant 0 : i32
    %dma_start3A_42 = arith.constant 0 : i32
    %dma_start3A_43 = tpu.memref_slice %arg8[%dma_start3A_40, %dma_start3A_41, %dma_start3A_42] : memref<2x128x96xf32, #tpu.memory_space<vmem>> -> memref<1x128x96xf32, #tpu.memory_space<vmem>>
    %dma_start3A_44 = tpu.memref_squeeze %dma_start3A_43 : memref<1x128x96xf32, #tpu.memory_space<vmem>> -> memref<128x96xf32, #tpu.memory_space<vmem>>
    %dma_start3A_45 = arith.constant 128 : i32
    %dma_start3A_46 = tpu.memref_slice %arg7[%dma_start3A_45] : memref<18432xi32, #tpu.memory_space<vmem>> -> memref<128xi32, #tpu.memory_space<vmem>>
    %dma_start3A_47 = arith.constant 0 : i32
    %dma_start3A_48 = arith.constant 0 : i32
    %dma_start3A_49 = tpu.memref_slice %arg4[%dma_start3A_47, %dma_start3A_48] : memref<576x96xf32, #tpu.memory_space<hbm>> -> memref<576x96xf32, #tpu.memory_space<hbm>>
    tpu.enqueue_indirect_dma source(%dma_start3A_49 : memref<576x96xf32, #tpu.memory_space<hbm>>) target(%dma_start3A_44 : memref<128x96xf32, #tpu.memory_space<vmem>>) offsets(%dma_start3A_46 : memref<128xi32, #tpu.memory_space<vmem>>) semaphore(%arg9 : memref<!tpu.dma_semaphore, #tpu.memory_space<semaphore_mem>>)
    %dma_wait3A_50 = arith.constant 1 : i32
    %dma_wait3A_51 = arith.constant 0 : i32
    %dma_wait3A_52 = arith.constant 0 : i32
    %dma_wait3A_53 = tpu.memref_slice %arg8[%dma_wait3A_50, %dma_wait3A_51, %dma_wait3A_52] : memref<2x128x96xf32, #tpu.memory_space<vmem>> -> memref<1x128x96xf32, #tpu.memory_space<vmem>>
    %dma_wait3A_54 = tpu.memref_squeeze %dma_wait3A_53 : memref<1x128x96xf32, #tpu.memory_space<vmem>> -> memref<128x96xf32, #tpu.memory_space<vmem>>
    %dma_wait3A_55 = arith.constant 128 : i32
    %dma_wait3A_56 = tpu.memref_slice %arg7[%dma_wait3A_55] : memref<18432xi32, #tpu.memory_space<vmem>> -> memref<128xi32, #tpu.memory_space<vmem>>
    %dma_wait3A_57 = arith.constant 0 : i32
    %dma_wait3A_58 = arith.constant 0 : i32
    %dma_wait3A_59 = tpu.memref_slice %arg4[%dma_wait3A_57, %dma_wait3A_58] : memref<576x96xf32, #tpu.memory_space<hbm>> -> memref<576x96xf32, #tpu.memory_space<hbm>>
    tpu.wait_indirect_dma semaphore(%arg9 : memref<!tpu.dma_semaphore, #tpu.memory_space<semaphore_mem>>) src(%dma_wait3A_59 : memref<576x96xf32, #tpu.memory_space<hbm>>) dst(%dma_wait3A_54 : memref<128x96xf32, #tpu.memory_space<vmem>>)
    %add3A_60 = arith.constant 128 : i32
    %add3A_61 = arith.addi %mul3A_2, %add3A_60 : i32
    %dma_start3A_62 = arith.constant 1 : i32
    %dma_start3A_63 = arith.constant 0 : i32
    %dma_start3A_64 = arith.constant 0 : i32
    %dma_start3A_65 = tpu.memref_slice %arg8[%dma_start3A_62, %dma_start3A_63, %dma_start3A_64] : memref<2x128x96xf32, #tpu.memory_space<vmem>> -> memref<1x128x96xf32, #tpu.memory_space<vmem>>
    %dma_start3A_66 = tpu.memref_squeeze %dma_start3A_65 : memref<1x128x96xf32, #tpu.memory_space<vmem>> -> memref<128x96xf32, #tpu.memory_space<vmem>>
    %dma_start3A_67 = arith.constant 0 : i32
    %dma_start3A_68 = tpu.memref_slice %arg5[%add3A_61, %dma_start3A_67] : memref<589824x96xf32, #tpu.memory_space<hbm>> -> memref<128x96xf32, #tpu.memory_space<hbm>>
    %dma_start3A_69 = arith.constant 0 : i32
    %dma_start3A_70 = tpu.memref_slice %arg5[%add3A_61, %dma_start3A_69] : memref<589824x96xf32, #tpu.memory_space<hbm>> -> memref<128x96xf32, #tpu.memory_space<hbm>>
    %dma_start3A_71 = arith.constant 0 : i32
    %dma_start3A_72 = arith.constant 0 : i32
    %dma_start3A_73 = tpu.memref_slice %arg8[%dma_start3A_62, %dma_start3A_71, %dma_start3A_72] : memref<2x128x96xf32, #tpu.memory_space<vmem>> -> memref<1x128x96xf32, #tpu.memory_space<vmem>>
    %dma_start3A_74 = tpu.memref_squeeze %dma_start3A_73 : memref<1x128x96xf32, #tpu.memory_space<vmem>> -> memref<128x96xf32, #tpu.memory_space<vmem>>
    tpu.enqueue_dma source(%dma_start3A_74 : memref<128x96xf32, #tpu.memory_space<vmem>>) target(%dma_start3A_70 : memref<128x96xf32, #tpu.memory_space<hbm>>) target_semaphore(%arg11 : memref<!tpu.dma_semaphore, #tpu.memory_space<semaphore_mem>>)
    %scan3A_75 = arith.constant 1 : i32
    %scan3A_76 = arith.constant 71 : i32
    %scan3A_77 = arith.addi %scan3A_75, %scan3A_76 : i32
    %scan3A_78 = arith.constant 1 : i32
    scf.for %scan3A_106 = %scan3A_75 to %scan3A_77 step %scan3A_78  : i32 {
      %mul3A_107 = arith.constant 2 : i32
      %mul3A_108 = arith.muli %scan3A_106, %mul3A_107 : i32
      %add3A_109 = arith.constant 0 : i32
      %add3A_110 = arith.addi %mul3A_108, %add3A_109 : i32
      %dma_wait3A_111 = arith.constant 0 : i32
      %dma_wait3A_112 = arith.constant 0 : i32
      %dma_wait3A_113 = arith.constant 0 : i32
      %dma_wait3A_114 = tpu.memref_slice %arg8[%dma_wait3A_111, %dma_wait3A_112, %dma_wait3A_113] : memref<2x128x96xf32, #tpu.memory_space<vmem>> -> memref<1x128x96xf32, #tpu.memory_space<vmem>>
      %dma_wait3A_115 = tpu.memref_squeeze %dma_wait3A_114 : memref<1x128x96xf32, #tpu.memory_space<vmem>> -> memref<128x96xf32, #tpu.memory_space<vmem>>
      %dma_wait3A_116 = arith.constant 0 : i32
      %dma_wait3A_117 = tpu.memref_slice %arg5[%mul3A_2, %dma_wait3A_116] : memref<589824x96xf32, #tpu.memory_space<hbm>> -> memref<128x96xf32, #tpu.memory_space<hbm>>
      %dma_wait3A_118 = arith.constant 0 : i32
      %dma_wait3A_119 = tpu.memref_slice %arg5[%mul3A_2, %dma_wait3A_118] : memref<589824x96xf32, #tpu.memory_space<hbm>> -> memref<128x96xf32, #tpu.memory_space<hbm>>
      %dma_wait3A_120 = arith.constant 0 : i32
      %dma_wait3A_121 = arith.constant 0 : i32
      %dma_wait3A_122 = tpu.memref_slice %arg8[%dma_wait3A_111, %dma_wait3A_120, %dma_wait3A_121] : memref<2x128x96xf32, #tpu.memory_space<vmem>> -> memref<1x128x96xf32, #tpu.memory_space<vmem>>
      %dma_wait3A_123 = tpu.memref_squeeze %dma_wait3A_122 : memref<1x128x96xf32, #tpu.memory_space<vmem>> -> memref<128x96xf32, #tpu.memory_space<vmem>>
      tpu.wait_dma2 semaphore(%arg10 : memref<!tpu.dma_semaphore, #tpu.memory_space<semaphore_mem>>) src(%dma_wait3A_123 : memref<128x96xf32, #tpu.memory_space<vmem>>) dst(%dma_wait3A_119 : memref<128x96xf32, #tpu.memory_space<hbm>>)
      %mul3A_124 = arith.constant 128 : i32
      %mul3A_125 = arith.muli %add3A_110, %mul3A_124 : i32
      %dma_start3A_126 = arith.constant 0 : i32
      %dma_start3A_127 = arith.constant 0 : i32
      %dma_start3A_128 = arith.constant 0 : i32
      %dma_start3A_129 = tpu.memref_slice %arg8[%dma_start3A_126, %dma_start3A_127, %dma_start3A_128] : memref<2x128x96xf32, #tpu.memory_space<vmem>> -> memref<1x128x96xf32, #tpu.memory_space<vmem>>
      %dma_start3A_130 = tpu.memref_squeeze %dma_start3A_129 : memref<1x128x96xf32, #tpu.memory_space<vmem>> -> memref<128x96xf32, #tpu.memory_space<vmem>>
      %dma_start3A_131 = tpu.memref_slice %arg7[%mul3A_125] : memref<18432xi32, #tpu.memory_space<vmem>> -> memref<128xi32, #tpu.memory_space<vmem>>
      %dma_start3A_132 = arith.constant 0 : i32
      %dma_start3A_133 = arith.constant 0 : i32
      %dma_start3A_134 = tpu.memref_slice %arg4[%dma_start3A_132, %dma_start3A_133] : memref<576x96xf32, #tpu.memory_space<hbm>> -> memref<576x96xf32, #tpu.memory_space<hbm>>
      tpu.enqueue_indirect_dma source(%dma_start3A_134 : memref<576x96xf32, #tpu.memory_space<hbm>>) target(%dma_start3A_130 : memref<128x96xf32, #tpu.memory_space<vmem>>) offsets(%dma_start3A_131 : memref<128xi32, #tpu.memory_space<vmem>>) semaphore(%arg9 : memref<!tpu.dma_semaphore, #tpu.memory_space<semaphore_mem>>)
      %dma_wait3A_135 = arith.constant 0 : i32
      %dma_wait3A_136 = arith.constant 0 : i32
      %dma_wait3A_137 = arith.constant 0 : i32
      %dma_wait3A_138 = tpu.memref_slice %arg8[%dma_wait3A_135, %dma_wait3A_136, %dma_wait3A_137] : memref<2x128x96xf32, #tpu.memory_space<vmem>> -> memref<1x128x96xf32, #tpu.memory_space<vmem>>
      %dma_wait3A_139 = tpu.memref_squeeze %dma_wait3A_138 : memref<1x128x96xf32, #tpu.memory_space<vmem>> -> memref<128x96xf32, #tpu.memory_space<vmem>>
      %dma_wait3A_140 = tpu.memref_slice %arg7[%mul3A_125] : memref<18432xi32, #tpu.memory_space<vmem>> -> memref<128xi32, #tpu.memory_space<vmem>>
      %dma_wait3A_141 = arith.constant 0 : i32
      %dma_wait3A_142 = arith.constant 0 : i32
      %dma_wait3A_143 = tpu.memref_slice %arg4[%dma_wait3A_141, %dma_wait3A_142] : memref<576x96xf32, #tpu.memory_space<hbm>> -> memref<576x96xf32, #tpu.memory_space<hbm>>
      tpu.wait_indirect_dma semaphore(%arg9 : memref<!tpu.dma_semaphore, #tpu.memory_space<semaphore_mem>>) src(%dma_wait3A_143 : memref<576x96xf32, #tpu.memory_space<hbm>>) dst(%dma_wait3A_139 : memref<128x96xf32, #tpu.memory_space<vmem>>)
      %mul3A_144 = arith.constant 128 : i32
      %mul3A_145 = arith.muli %add3A_110, %mul3A_144 : i32
      %add3A_146 = arith.addi %mul3A_2, %mul3A_145 : i32
      %dma_start3A_147 = arith.constant 0 : i32
      %dma_start3A_148 = arith.constant 0 : i32
      %dma_start3A_149 = arith.constant 0 : i32
      %dma_start3A_150 = tpu.memref_slice %arg8[%dma_start3A_147, %dma_start3A_148, %dma_start3A_149] : memref<2x128x96xf32, #tpu.memory_space<vmem>> -> memref<1x128x96xf32, #tpu.memory_space<vmem>>
      %dma_start3A_151 = tpu.memref_squeeze %dma_start3A_150 : memref<1x128x96xf32, #tpu.memory_space<vmem>> -> memref<128x96xf32, #tpu.memory_space<vmem>>
      %dma_start3A_152 = arith.constant 0 : i32
      %dma_start3A_153 = tpu.memref_slice %arg5[%add3A_146, %dma_start3A_152] : memref<589824x96xf32, #tpu.memory_space<hbm>> -> memref<128x96xf32, #tpu.memory_space<hbm>>
      %dma_start3A_154 = arith.constant 0 : i32
      %dma_start3A_155 = tpu.memref_slice %arg5[%add3A_146, %dma_start3A_154] : memref<589824x96xf32, #tpu.memory_space<hbm>> -> memref<128x96xf32, #tpu.memory_space<hbm>>
      %dma_start3A_156 = arith.constant 0 : i32
      %dma_start3A_157 = arith.constant 0 : i32
      %dma_start3A_158 = tpu.memref_slice %arg8[%dma_start3A_147, %dma_start3A_156, %dma_start3A_157] : memref<2x128x96xf32, #tpu.memory_space<vmem>> -> memref<1x128x96xf32, #tpu.memory_space<vmem>>
      %dma_start3A_159 = tpu.memref_squeeze %dma_start3A_158 : memref<1x128x96xf32, #tpu.memory_space<vmem>> -> memref<128x96xf32, #tpu.memory_space<vmem>>
      tpu.enqueue_dma source(%dma_start3A_159 : memref<128x96xf32, #tpu.memory_space<vmem>>) target(%dma_start3A_155 : memref<128x96xf32, #tpu.memory_space<hbm>>) target_semaphore(%arg10 : memref<!tpu.dma_semaphore, #tpu.memory_space<semaphore_mem>>)
      %mul3A_160 = arith.constant 2 : i32
      %mul3A_161 = arith.muli %scan3A_106, %mul3A_160 : i32
      %add3A_162 = arith.constant 1 : i32
      %add3A_163 = arith.addi %mul3A_161, %add3A_162 : i32
      %dma_wait3A_164 = arith.constant 1 : i32
      %dma_wait3A_165 = arith.constant 0 : i32
      %dma_wait3A_166 = arith.constant 0 : i32
      %dma_wait3A_167 = tpu.memref_slice %arg8[%dma_wait3A_164, %dma_wait3A_165, %dma_wait3A_166] : memref<2x128x96xf32, #tpu.memory_space<vmem>> -> memref<1x128x96xf32, #tpu.memory_space<vmem>>
      %dma_wait3A_168 = tpu.memref_squeeze %dma_wait3A_167 : memref<1x128x96xf32, #tpu.memory_space<vmem>> -> memref<128x96xf32, #tpu.memory_space<vmem>>
      %dma_wait3A_169 = arith.constant 0 : i32
      %dma_wait3A_170 = tpu.memref_slice %arg5[%mul3A_2, %dma_wait3A_169] : memref<589824x96xf32, #tpu.memory_space<hbm>> -> memref<128x96xf32, #tpu.memory_space<hbm>>
      %dma_wait3A_171 = arith.constant 0 : i32
      %dma_wait3A_172 = tpu.memref_slice %arg5[%mul3A_2, %dma_wait3A_171] : memref<589824x96xf32, #tpu.memory_space<hbm>> -> memref<128x96xf32, #tpu.memory_space<hbm>>
      %dma_wait3A_173 = arith.constant 0 : i32
      %dma_wait3A_174 = arith.constant 0 : i32
      %dma_wait3A_175 = tpu.memref_slice %arg8[%dma_wait3A_164, %dma_wait3A_173, %dma_wait3A_174] : memref<2x128x96xf32, #tpu.memory_space<vmem>> -> memref<1x128x96xf32, #tpu.memory_space<vmem>>
      %dma_wait3A_176 = tpu.memref_squeeze %dma_wait3A_175 : memref<1x128x96xf32, #tpu.memory_space<vmem>> -> memref<128x96xf32, #tpu.memory_space<vmem>>
      tpu.wait_dma2 semaphore(%arg11 : memref<!tpu.dma_semaphore, #tpu.memory_space<semaphore_mem>>) src(%dma_wait3A_176 : memref<128x96xf32, #tpu.memory_space<vmem>>) dst(%dma_wait3A_172 : memref<128x96xf32, #tpu.memory_space<hbm>>)
      %mul3A_177 = arith.constant 128 : i32
      %mul3A_178 = arith.muli %add3A_163, %mul3A_177 : i32
      %dma_start3A_179 = arith.constant 1 : i32
      %dma_start3A_180 = arith.constant 0 : i32
      %dma_start3A_181 = arith.constant 0 : i32
      %dma_start3A_182 = tpu.memref_slice %arg8[%dma_start3A_179, %dma_start3A_180, %dma_start3A_181] : memref<2x128x96xf32, #tpu.memory_space<vmem>> -> memref<1x128x96xf32, #tpu.memory_space<vmem>>
      %dma_start3A_183 = tpu.memref_squeeze %dma_start3A_182 : memref<1x128x96xf32, #tpu.memory_space<vmem>> -> memref<128x96xf32, #tpu.memory_space<vmem>>
      %dma_start3A_184 = tpu.memref_slice %arg7[%mul3A_178] : memref<18432xi32, #tpu.memory_space<vmem>> -> memref<128xi32, #tpu.memory_space<vmem>>
      %dma_start3A_185 = arith.constant 0 : i32
      %dma_start3A_186 = arith.constant 0 : i32
      %dma_start3A_187 = tpu.memref_slice %arg4[%dma_start3A_185, %dma_start3A_186] : memref<576x96xf32, #tpu.memory_space<hbm>> -> memref<576x96xf32, #tpu.memory_space<hbm>>
      tpu.enqueue_indirect_dma source(%dma_start3A_187 : memref<576x96xf32, #tpu.memory_space<hbm>>) target(%dma_start3A_183 : memref<128x96xf32, #tpu.memory_space<vmem>>) offsets(%dma_start3A_184 : memref<128xi32, #tpu.memory_space<vmem>>) semaphore(%arg9 : memref<!tpu.dma_semaphore, #tpu.memory_space<semaphore_mem>>)
      %dma_wait3A_188 = arith.constant 1 : i32
      %dma_wait3A_189 = arith.constant 0 : i32
      %dma_wait3A_190 = arith.constant 0 : i32
      %dma_wait3A_191 = tpu.memref_slice %arg8[%dma_wait3A_188, %dma_wait3A_189, %dma_wait3A_190] : memref<2x128x96xf32, #tpu.memory_space<vmem>> -> memref<1x128x96xf32, #tpu.memory_space<vmem>>
      %dma_wait3A_192 = tpu.memref_squeeze %dma_wait3A_191 : memref<1x128x96xf32, #tpu.memory_space<vmem>> -> memref<128x96xf32, #tpu.memory_space<vmem>>
      %dma_wait3A_193 = tpu.memref_slice %arg7[%mul3A_178] : memref<18432xi32, #tpu.memory_space<vmem>> -> memref<128xi32, #tpu.memory_space<vmem>>
      %dma_wait3A_194 = arith.constant 0 : i32
      %dma_wait3A_195 = arith.constant 0 : i32
      %dma_wait3A_196 = tpu.memref_slice %arg4[%dma_wait3A_194, %dma_wait3A_195] : memref<576x96xf32, #tpu.memory_space<hbm>> -> memref<576x96xf32, #tpu.memory_space<hbm>>
      tpu.wait_indirect_dma semaphore(%arg9 : memref<!tpu.dma_semaphore, #tpu.memory_space<semaphore_mem>>) src(%dma_wait3A_196 : memref<576x96xf32, #tpu.memory_space<hbm>>) dst(%dma_wait3A_192 : memref<128x96xf32, #tpu.memory_space<vmem>>)
      %mul3A_197 = arith.constant 128 : i32
      %mul3A_198 = arith.muli %add3A_163, %mul3A_197 : i32
      %add3A_199 = arith.addi %mul3A_2, %mul3A_198 : i32
      %dma_start3A_200 = arith.constant 1 : i32
      %dma_start3A_201 = arith.constant 0 : i32
      %dma_start3A_202 = arith.constant 0 : i32
      %dma_start3A_203 = tpu.memref_slice %arg8[%dma_start3A_200, %dma_start3A_201, %dma_start3A_202] : memref<2x128x96xf32, #tpu.memory_space<vmem>> -> memref<1x128x96xf32, #tpu.memory_space<vmem>>
      %dma_start3A_204 = tpu.memref_squeeze %dma_start3A_203 : memref<1x128x96xf32, #tpu.memory_space<vmem>> -> memref<128x96xf32, #tpu.memory_space<vmem>>
      %dma_start3A_205 = arith.constant 0 : i32
      %dma_start3A_206 = tpu.memref_slice %arg5[%add3A_199, %dma_start3A_205] : memref<589824x96xf32, #tpu.memory_space<hbm>> -> memref<128x96xf32, #tpu.memory_space<hbm>>
      %dma_start3A_207 = arith.constant 0 : i32
      %dma_start3A_208 = tpu.memref_slice %arg5[%add3A_199, %dma_start3A_207] : memref<589824x96xf32, #tpu.memory_space<hbm>> -> memref<128x96xf32, #tpu.memory_space<hbm>>
      %dma_start3A_209 = arith.constant 0 : i32
      %dma_start3A_210 = arith.constant 0 : i32
      %dma_start3A_211 = tpu.memref_slice %arg8[%dma_start3A_200, %dma_start3A_209, %dma_start3A_210] : memref<2x128x96xf32, #tpu.memory_space<vmem>> -> memref<1x128x96xf32, #tpu.memory_space<vmem>>
      %dma_start3A_212 = tpu.memref_squeeze %dma_start3A_211 : memref<1x128x96xf32, #tpu.memory_space<vmem>> -> memref<128x96xf32, #tpu.memory_space<vmem>>
      tpu.enqueue_dma source(%dma_start3A_212 : memref<128x96xf32, #tpu.memory_space<vmem>>) target(%dma_start3A_208 : memref<128x96xf32, #tpu.memory_space<hbm>>) target_semaphore(%arg11 : memref<!tpu.dma_semaphore, #tpu.memory_space<semaphore_mem>>)
    }
    %scan3A_79 = arith.constant 71 : i32
    %dma_wait3A_80 = arith.constant 0 : i32
    %dma_wait3A_81 = arith.constant 0 : i32
    %dma_wait3A_82 = arith.constant 0 : i32
    %dma_wait3A_83 = tpu.memref_slice %arg8[%dma_wait3A_80, %dma_wait3A_81, %dma_wait3A_82] : memref<2x128x96xf32, #tpu.memory_space<vmem>> -> memref<1x128x96xf32, #tpu.memory_space<vmem>>
    %dma_wait3A_84 = tpu.memref_squeeze %dma_wait3A_83 : memref<1x128x96xf32, #tpu.memory_space<vmem>> -> memref<128x96xf32, #tpu.memory_space<vmem>>
    %dma_wait3A_85 = arith.constant 0 : i32
    %dma_wait3A_86 = tpu.memref_slice %arg5[%mul3A_2, %dma_wait3A_85] : memref<589824x96xf32, #tpu.memory_space<hbm>> -> memref<128x96xf32, #tpu.memory_space<hbm>>
    %dma_wait3A_87 = arith.constant 0 : i32
    %dma_wait3A_88 = tpu.memref_slice %arg5[%mul3A_2, %dma_wait3A_87] : memref<589824x96xf32, #tpu.memory_space<hbm>> -> memref<128x96xf32, #tpu.memory_space<hbm>>
    %dma_wait3A_89 = arith.constant 0 : i32
    %dma_wait3A_90 = arith.constant 0 : i32
    %dma_wait3A_91 = tpu.memref_slice %arg8[%dma_wait3A_80, %dma_wait3A_89, %dma_wait3A_90] : memref<2x128x96xf32, #tpu.memory_space<vmem>> -> memref<1x128x96xf32, #tpu.memory_space<vmem>>
    %dma_wait3A_92 = tpu.memref_squeeze %dma_wait3A_91 : memref<1x128x96xf32, #tpu.memory_space<vmem>> -> memref<128x96xf32, #tpu.memory_space<vmem>>
    tpu.wait_dma2 semaphore(%arg10 : memref<!tpu.dma_semaphore, #tpu.memory_space<semaphore_mem>>) src(%dma_wait3A_92 : memref<128x96xf32, #tpu.memory_space<vmem>>) dst(%dma_wait3A_88 : memref<128x96xf32, #tpu.memory_space<hbm>>)
    %dma_wait3A_93 = arith.constant 1 : i32
    %dma_wait3A_94 = arith.constant 0 : i32
    %dma_wait3A_95 = arith.constant 0 : i32
    %dma_wait3A_96 = tpu.memref_slice %arg8[%dma_wait3A_93, %dma_wait3A_94, %dma_wait3A_95] : memref<2x128x96xf32, #tpu.memory_space<vmem>> -> memref<1x128x96xf32, #tpu.memory_space<vmem>>
    %dma_wait3A_97 = tpu.memref_squeeze %dma_wait3A_96 : memref<1x128x96xf32, #tpu.memory_space<vmem>> -> memref<128x96xf32, #tpu.memory_space<vmem>>
    %dma_wait3A_98 = arith.constant 0 : i32
    %dma_wait3A_99 = tpu.memref_slice %arg5[%mul3A_2, %dma_wait3A_98] : memref<589824x96xf32, #tpu.memory_space<hbm>> -> memref<128x96xf32, #tpu.memory_space<hbm>>
    %dma_wait3A_100 = arith.constant 0 : i32
    %dma_wait3A_101 = tpu.memref_slice %arg5[%mul3A_2, %dma_wait3A_100] : memref<589824x96xf32, #tpu.memory_space<hbm>> -> memref<128x96xf32, #tpu.memory_space<hbm>>
    %dma_wait3A_102 = arith.constant 0 : i32
    %dma_wait3A_103 = arith.constant 0 : i32
    %dma_wait3A_104 = tpu.memref_slice %arg8[%dma_wait3A_93, %dma_wait3A_102, %dma_wait3A_103] : memref<2x128x96xf32, #tpu.memory_space<vmem>> -> memref<1x128x96xf32, #tpu.memory_space<vmem>>
    %dma_wait3A_105 = tpu.memref_squeeze %dma_wait3A_104 : memref<1x128x96xf32, #tpu.memory_space<vmem>> -> memref<128x96xf32, #tpu.memory_space<vmem>>
    tpu.wait_dma2 semaphore(%arg11 : memref<!tpu.dma_semaphore, #tpu.memory_space<semaphore_mem>>) src(%dma_wait3A_105 : memref<128x96xf32, #tpu.memory_space<vmem>>) dst(%dma_wait3A_101 : memref<128x96xf32, #tpu.memory_space<hbm>>)
    return
  }
}

</mosaic_0001>

<sc_bundles>
// kernel: kernel.3.cloned.1.call-start
scs
__scs_entry_jumppad:
0x0: {  	(pc) =	sbr.rel $0x88, $3  }
0x1: {  	(tag) =	ssettag $0x0;
	lr =	simm.s32 $0x1  }
0x2: {  	[smem:$0x3F9E] =	sst lr;
	_ =	strace $0xD0000000  }
0x3: {  	_ = 	snop  }
0x4: {  	_ = 	snop  }
0x5: {  	_ = 	snop  }
0x6: {  	_ = 	snop  }
0x7: {  	_ = 	snop  }
__scs_overlays_trampoline_lowered:
0x8: {  	[smem:$0x3FAD] =	sst s0  }
0x9: {  	[smem:$0x3FAE] =	sst s1  }
0xa: {  	[smem:$0x3FAF] =	sst s2  }
0xb: {  	[smem:$0x3FB0] =	sst s3  }
0xc: {  	[smem:$0x3FB1] =	sst s4  }
0xd: {  	[smem:$0x3FB2] =	sst s5  }
0xe: {  	[smem:$0x3FB3] =	sst s6  }
0xf: {  	[smem:$0x3FB4] =	sst s7  }
0x10: {  	[smem:$0x3FB5] =	sst s8  }
0x11: {  	[smem:$0x3FB6] =	sst s9;
	s0 =	simm.s32 @!p0 $0x0  }
0x12: {  	s1 =	sld [smem:$0x3F9C];
	s0 =	simm.s32 @p0 $0x1  }
0x13: {  	[smem:$0x3FB7] =	sst s0;
	s0 =	simm.s32 @!p1 $0x0  }
0x14: {  	s2 =	sld [smem:$0x3F9B];
	s0 =	simm.s32 @p1 $0x1  }
0x15: {  	[smem:$0x3FB8] =	sst s0;
	s0 =	simm.s32 @!p2 $0x0  }
0x16: {  	s3 =	sld [smem:$0x3FDB];
	s0 =	simm.s32 @p2 $0x1  }
0x17: {  	s4 =	simm.s32 $0x1BF5;
	[smem:$0x3FBA] =	sst s0  }
0x18: {  	s0 =	sld [smem:$0x3F9D];
	_ =	swait.ge [sflag:s4], $0x0  }
0x19: {  	s7 =	sld [smem:$0x3F9E]  }
0x1a: {  	s8 =	sadd.s32 $0xFFFFE003, lr  }
0x1b: {  	s9 =	sadd.s32 $0xFFFFFEF7, lr;
	s5 =	simm.s32 $0xFFFFFFFF;
	p2 =	slt.u32 s8, $0xFFFFF086  }
0x1c: {  	p1 =	slt.u32 s9, $0xF7A;
	s5 =	simm.s32 @!p2 $0x0  }
0x1d: {  	s5 =	simm.s32 @p1 $0x1;
	p0 =	seq.s32 s7, s2  }
0x1e: {  	s7 =	smul.u32 @!p0 $0xF7A, s2;
	p2 =	seq.s32 @!p0 s5, $0x0  }
0x1f: {  	s9 =	smul.u32 $0xF7A, s1;
	s8 =	simm.s32 @!p0 $0x1BF5;
	p2 =	por !p2, p0  }
0x20: {  	[sflag:s8] =	ssyncset.s32 @!p0 $0xFFFFF086;
	s6 =	sadd.s32 @!p0 s3, s7;
	s7 =	simm.s32 @!p0 $0x108  }
0x21: {  	s3 =	sadd.s32 s3, s9;
	s6 =	sadd.s32 @!p0 $0x88, s6;
	s7 =	simm.s32 @p2 $0x1082  }
0x22: {  	[simem:s7], [sflag:s8] =	dma.local @!p0 [hbm:s6], $0xF7A  }
0x23: {  	s9 =	sor.u32 $0xD0000000, s2;
	s6 =	simm.s32 $0x108;
	_ =	swait.ge @!p0 [sflag:s8], $0x0  }
0x24: {  	s3 =	sadd.s32 $0x88, s3;
	s6 =	simm.s32 @!p1 $0x1082;
	[sflag:s4] =	ssyncset.s32 $0xFFFFF086  }
0x25: {  	[simem:s6], [sflag:s4] =	dma.local [hbm:s3], $0xF7A  }
0x26: {  	[smem:$0x3F9E] =	sst s1;
	(tag) =	ssettag s2;
	_ =	strace s9  }
0x27: {  	s1 =	sld [smem:$0x3FAE]  }
0x28: {  	s2 =	sld [smem:$0x3FAF]  }
0x29: {  	s4 =	sld [smem:$0x3FB1]  }
0x2a: {  	p0 =	seq.s32 s5, $0x0;
	s5 =	sld [smem:$0x3FB2]  }
0x2b: {  	s6 =	sld [smem:$0x3FB3]  }
0x2c: {  	s7 =	sld [smem:$0x3FB4]  }
0x2d: {  	s3 =	simm.s32 $0x108;
	s8 =	sld [smem:$0x3FB5]  }
0x2e: {  	s3 =	simm.s32 @!p0 $0x1082;
	s9 =	sld [smem:$0x3FB6]  }
0x2f: {  	lr =	sadd.s32 s0, s3;
	s0 =	sld [smem:$0x3FAD]  }
0x30: {  	s3 =	sld [smem:$0x3FB0]  }
0x31: {  	[smem:$0x3FB9] =	sst s10  }
0x32: {  	s10 =	sld [smem:$0x3FB7];
	_ =	sdelay $0x3  }
0x33: {  	p0 =	seq.s32 s10, $0x1;
	s10 =	sld [smem:$0x3FB9];
	_ =	sdelay $0x3  }
0x34: {  	[smem:$0x3FB9] =	sst s10  }
0x35: {  	s10 =	sld [smem:$0x3FB8];
	_ =	sdelay $0x3  }
0x36: {  	p1 =	seq.s32 s10, $0x1;
	s10 =	sld [smem:$0x3FB9];
	_ =	sdelay $0x3  }
0x37: {  	[smem:$0x3FB9] =	sst s10  }
0x38: {  	s10 =	sld [smem:$0x3FBA]  }
0x39: {  	_ = 	snop;
	(pc) =	sbr.ind lr, $3  }
0x3a: {  	_ = 	snop  }
0x3b: {  	_ = 	snop  }
0x3c: {  	p2 =	seq.s32 s10, $0x1;
	s10 =	sld [smem:$0x3FB9]  }
0x3d: {  	_ =	shalt  }
0x3e: {  	_ =	shalt  }
0x3f: {  	_ =	shalt  }
0x40: {  	_ =	shalt  }
0x41: {  	_ =	shalt  }
0x42: {  	_ =	shalt  }
0x43: {  	_ =	shalt  }
0x44: {  	_ =	shalt  }
0x45: {  	_ =	shalt  }
0x46: {  	_ =	shalt  }
0x47: {  	_ =	shalt  }
0x48: {  	_ =	shalt  }
0x49: {  	_ =	shalt  }
0x4a: {  	_ =	shalt  }
0x4b: {  	_ =	shalt  }
0x4c: {  	_ =	shalt  }
0x4d: {  	_ =	shalt  }
0x4e: {  	_ =	shalt  }
0x4f: {  	_ =	shalt  }
0x50: {  	_ =	shalt  }
0x51: {  	_ =	shalt  }
0x52: {  	_ =	shalt  }
0x53: {  	_ =	shalt  }
0x54: {  	_ =	shalt  }
0x55: {  	_ =	shalt  }
0x56: {  	_ =	shalt  }
0x57: {  	_ =	shalt  }
0x58: {  	_ =	shalt  }
0x59: {  	_ =	shalt  }
0x5a: {  	_ =	shalt  }
0x5b: {  	_ =	shalt  }
0x5c: {  	_ =	shalt  }
0x5d: {  	_ =	shalt  }
0x5e: {  	_ =	shalt  }
0x5f: {  	_ =	shalt  }
0x60: {  	_ =	shalt  }
0x61: {  	_ =	shalt  }
0x62: {  	_ =	shalt  }
0x63: {  	_ =	shalt  }
0x64: {  	_ =	shalt  }
0x65: {  	_ =	shalt  }
0x66: {  	_ =	shalt  }
0x67: {  	_ =	shalt  }
0x68: {  	_ =	shalt  }
0x69: {  	_ =	shalt  }
0x6a: {  	_ =	shalt  }
0x6b: {  	_ =	shalt  }
0x6c: {  	_ =	shalt  }
0x6d: {  	_ =	shalt  }
0x6e: {  	_ =	shalt  }
0x6f: {  	_ =	shalt  }
0x70: {  	_ =	shalt  }
0x71: {  	_ =	shalt  }
0x72: {  	_ =	shalt  }
0x73: {  	_ =	shalt  }
0x74: {  	_ =	shalt  }
0x75: {  	_ =	shalt  }
0x76: {  	_ =	shalt  }
0x77: {  	_ =	shalt  }
0x78: {  	_ =	shalt  }
0x79: {  	_ =	shalt  }
0x7a: {  	_ =	shalt  }
0x7b: {  	_ =	shalt  }
0x7c: {  	_ =	shalt  }
0x7d: {  	_ =	shalt  }
0x7e: {  	_ =	shalt  }
0x7f: {  	_ =	shalt  }
0x80: {  	_ =	shalt  }
0x81: {  	_ =	shalt  }
0x82: {  	_ =	shalt  }
0x83: {  	_ =	shalt  }
0x84: {  	_ =	shalt  }
0x85: {  	_ =	shalt  }
0x86: {  	_ =	shalt  }
0x87: {  	_ =	shalt  }
.Lfunc_end0:
.L_simem_size_0:
called_computation.1_lowered:
.L_overlay_start_0:
0x88: {  	s2 =	sld [smem:$0x3FD9]  }
0x89: {  	s3 =	sld [smem:$0x3FFE];
	_ =	sdelay $0x1  }
0x8a: {  	s1 =	srdreg.scid  }
0x8b: {  	s0 =	sand.u32 $0x1, s1  }
0x8c: {  	s17 =	sshll.u32 s0, $0xA;
	s2 =	sadd.s32 s3, s2  }
0x8d: {  	s2 =	sadd.s32 s2, s17  }
0x8e: {  	[smem:$0x3FC5] =	sst s2  }
0x8f: {  	_ = 	snop  }
0x90: {  	s2 =	sld [smem:$0x3FD0];
	(tm) =	ssettm $0x1  }
0x91: {  	s18 =	sld [smem:$0x3FFB];
	_ =	sdelay $0x3  }
0x92: {  	_ =	strace s18  }
0x93: {  	s3 =	sld [smem:$0x3FFC];
	_ =	sdelay $0x3  }
0x94: {  	_ =	strace s3  }
0x95: {  	s3 =	sld [smem:$0x3FFD];
	_ =	sdelay $0x3  }
0x96: {  	_ =	strace s3  }
0x97: {  	_ =	strace $0x8FFFFFFF  }
0x98: {  	s19 =	sld [smem:$0x3FDB];
	_ =	sdelay $0x1  }
0x99: {  	s4 =	simm.s32 $_scs_section_size  }
0x9a: {  	s5 =	simm.s32 $_size__tile_overlayer_lowered;
	s6 =	simm.s32 $_tile_overlayer_lowered  }
0x9b: {  	s22 =	simm.s32 $0x1BFF;
	s21 =	sshll.u32 s6, $0x1;
	s3 =	sadd.s32 s4, s19  }
0x9c: {  	s7 =	simm.s32 $0x0;
	s20 =	sshll.u32 s5, $0x1;
	s5 =	sadd.s32 s21, s3  }
0x9d: {  	[timem:s7], [sflag:s22] =	dma.local [hbm:s5], s20  }
0x9e: {  	_ =	swait.ge [sflag:s22], s20  }
0x9f: {  	s4 =	ssub.s32 $0x0, s20;
	[sflag:s22] =	ssyncset.done $0x0  }
0xa0: {  	[sflag:s22] =	ssyncadd.s32 s4;
	_ =	sdelay $0x1  }
0xa1: {  	s23 =	simm.s32 $0x1B8B  }
0xa2: {  	_ =	swait.ge [sflag:s23], $0x1  }
0xa3: {  	[sflag:s23] =	ssyncset.done $0x0  }
0xa4: {  	s25 =	simm.s32 $0x1B8E;
	s24 =	sld [smem:$0x3FFE];
	[sflag:s23] =	ssyncadd.s32 $0xFFFFFFFF  }
0xa5: {  	s26 =	simm.s32 $execute0_lowered;
	[smem:$0x3FD2] =	sst s25  }
0xa6: {  	s5 =	sshll.u32 s26, $0x1;
	_ =	strace $0x80000046;
	[dreg:$0x1] =	wrdreg $0xFFFFFFFF  }
0xa7: {  	s28 =	simm.s32 $_size_execute0_lowered;
	s3 =	sadd.s32 s3, s5;
	[dreg:$0x0] =	wrdreg $0x0  }
0xa8: {  	s5 =	sshll.u32 s28, $0x1;
	[dreg:$0x2] =	wrdreg s3  }
0xa9: {  	[dreg:$0x3] =	wrdreg s5  }
0xaa: {  	[dreg:$0x4] =	wrdreg $0xC0  }
0xab: {  	_ =	task [dreg:s7], $0x5FFFF  }
0xac: {  	[dreg:$0x1] =	wrdreg $0xFFFFFFFF  }
0xad: {  	[dreg:$0x0] =	wrdreg $0x60  }
0xae: {  	[dreg:$0x2] =	wrdreg s24  }
0xaf: {  	[dreg:$0x3] =	wrdreg s2  }
0xb0: {  	[dreg:$0x4] =	wrdreg $0x9  }
0xb1: {  	_ =	task.clear_ibuf [dreg:s7], $0x5FFFF;
	_ =	strace $0x90000046  }
0xb2: {  	s29 =	simm.s32 $0x9;
	_ =	strace $0x80000048  }
0xb3: {  	_ =	swait.ge [sflag:s29], $0x1  }
0xb4: {  	[sflag:s29] =	ssyncadd.s32 $0xFFFFFFFF  }
0xb5: {  	_ =	strace $0x90000048  }
0xb6: {  	_ =	sfence  }
0xb7: {  	s30 =	sld [smem:$0x0];
	_ =	sdelay $0x2  }
0xb8: {  	s31 =	sshll.u32 s1, $0xD;
	s1 =	sshrl.u32 s1, $0x2  }
0xb9: {  	s3 =	sand.u32 $0x4000, s31;
	s1 =	sadd.s32 s1, s30  }
0xba: {  	s0 =	sor.u32 s3, s0;
	s1 =	sshll.u32 s1, $0x11  }
0xbb: {  	s0 =	sor.u32 s1, s0  }
0xbc: {  	s0 =	sadd.s32 $0x8F2B, s0  }
0xbd: {  	[sflag:s0] =	ssyncadd.remote.s32 $0x1  }
0xbe: {  	_ =	sfence.sel $0xFFFF  }
0xbf: {  	[dreg:$0x0] =	wrdreg $0xFFFFFFFF;
	(pc) =	sbr.abs _section_cstart, $3  }
0xc0: {  	[dreg:$0x1] =	wrdreg $0xFFFFFFFF  }
0xc1: {  	_ =	task.clear_ibuf [dreg:s7], $0x2FFFF;
	_ =	strace $0x9FFFFFFF  }
0xc2: {  	(tm) =	ssettm $0x7FFFFFFF  }
0xc3: {  	_ =	shalt  }
tec
execute0_lowered:
.L_overlay_start_1:
0x0: {  	(tag) =	ssettag $0x1  }
0x1: {  	s3 =	rddreg [dreg:$0x0]  }
0x2: {  	s1 =	srdreg.scid;
	s0 =	stileid.u32  }
0x3: {  	s6 =	rddreg [dreg:$0x1];
	s2 =	simm.s32 $0x0;
	s11 =	simm.s32 $0x4800  }
0x4: {  	s12 =	simm.s32 $0x80;
	s13 =	simm.s32 $0x9000;
	s14 =	simm.s32 $0x1  }
0x5: {  	s15 =	simm.s32 $0x4880;
	s16 =	simm.s32 $0xC000;
	s17 =	simm.s32 $0x2  }
0x6: {  	s18 =	simm.s32 $0x3;
	s19 =	simm.s32 $0x0;
	s4 =	sand.u32 $0x1, s1  }
0x7: {  	s5 =	sshll.u32 s0, $0x1;
	s1 =	rddreg [dreg:$0x2];
	s10 =	smul.u32 $0x6C000, s0  }
0x8: {  	[smem:$0x7FF] =	sst s2;
	s5 =	sor.u32 s4, s5;
	s31 =	smul.u32 $0x36000, s4  }
0x9: {  	_ =	strace $0x80000047;
	s8 =	ssub.s32 $0x2, s4;
	s7 =	smul.u32 $0x4800, s5  }
0xa: {  	s5 =	smul.u32 $0x36000, s5;
	s9 =	sshrl.u32 s8, $0x1;
	s10 =	sadd.s32 s10, s6  }
0xb: {  	s8 =	ssub.s32 s8, s9;
	s9 =	sadd.s32 s31, s10;
	s10 =	simm.s32 $0x4  }
0xc: {  	s7 =	sshrl.u32 s7, $0x3;
	s5 =	sadd.s32 s6, s5;
	s8 =	smax.u32 s8, $0x1  }
0xd: {  	s9 =	sadd.s32 $0x1200, s9;
	s7 =	sadd.s32 s7, s3;
	s3 =	sadd.s32 $0xA00, s3  }
0xe: {  	s4 =	sadd.s32 $0x2600, s7;
	s6 =	sadd.s32 $0x14600, s7;
	s7 =	sadd.s32 $0x600, s5  }
.LBB2_1:
0xf: {  	[tilespmem:s2], [sflag:$0x4] =	stream.linear.gather [hbm4b:s4+s2], $0x4800, $0x38;
	[tilespmem:$0xF000] =	vst v63  }
0x10: {  	_ =	swait.ge [sflag:s10], $0x4800  }
0x11: {  	[sflag:s10] =	ssyncset.done $0x0  }
0x12: {  	[sflag:s10] =	ssyncadd.s32 $0xFFFFB800  }
0x13: {  	[tilespmem:s11], [sflag:$0x4] =	stream.linear.gather [hbm4b:s6+s2], $0x4800, $0x38;
	[tilespmem:$0xF000] =	vst v63  }
0x14: {  	_ =	swait.ge [sflag:s10], $0x4800  }
0x15: {  	[sflag:s10] =	ssyncset.done $0x0  }
0x16: {  	s20 =	simm.s32 $0x0;
	[sflag:s10] =	ssyncadd.s32 $0xFFFFB800  }
0x17: {  	v1 =	vld [tilespmem:s20+$0x0];
	_ =	sdelay $0x1  }
0x18: {  	v0 =	vld [tilespmem:s20+$0x4800];
	_ =	sdelay $0x2  }
0x19: {  	v1 =	vmul.u32 $0x18, v1  }
0x1a: {  	s21 =	simm.s32 $0x10;
	s22 =	simm.s32 $0x80  }
.LBB2_2:
0x1b: {  	p0 =	sne.s32 s22, $0x11FC0;
	v2 =	vld [tilespmem:s21+$0x0];
	v0 =	vadd.s32 v0, v1  }
0x1c: {  	[tilespmem:s20+$0x4800] =	vst v0;
	s20 =	smov.u32 s21  }
.Ltmp0:
0x1d: {  	v0 =	vld [tilespmem:s20+$0x4800];
	(pc) =	sbr.rel @p0 .LBB2_2-.Ltmp0, $3  }
0x1e: {  	_ =	sdelay $0x1  }
0x1f: {  	v1 =	vmul.u32 $0x18, v2  }
0x20: {  	s21 =	sshra.s32 s22, $0x2;
	s22 =	sadd.s32 $0x40, s22  }
0x21: {  	v2 =	vld [tilespmem:s21+$0x0];
	v0 =	vadd.s32 v0, v1  }
0x22: {  	[tilespmem:s20+$0x4800] =	vst v0  }
0x23: {  	v0 =	vld [tilespmem:s21+$0x4800];
	_ =	sdelay $0x2  }
0x24: {  	v63 =	vmul.u32 $0x18, v2;
	_ =	sdelay $0x1  }
0x25: {  	v0 =	vadd.s32 v0, v63  }
0x26: {  	[tilespmem:s21+$0x4800] =	vst v0  }
0x27: {  	[tilespmem:s13], [sflag:$0x1] =	stream.indirect.gather [hbm4b:s3+s12], $0x60, s11, s12, $0xb8;
	[tilespmem:$0xF000] =	vst v63  }
0x28: {  	_ =	swait.ge [sflag:s14], $0x3000  }
0x29: {  	[sflag:s14] =	ssyncset.done $0x0  }
0x2a: {  	s28 =	simm.s32 $0x0;
	[sflag:s14] =	ssyncadd.s32 $0xFFFFD000  }
0x2b: {  	[hbm4b:s5+s28] =	stream.linear.scatter [tilespmem:s13], [sflag:$0x2], $0x3000, $0x38;
	[tilespmem:$0xF000] =	vst v63  }
0x2c: {  	_ = 	snop  }
0x2d: {  	[tilespmem:s16], [sflag:$0x1] =	stream.indirect.gather [hbm4b:s3+s12], $0x60, s15, s12, $0xb8;
	[tilespmem:$0xF000] =	vst v63  }
0x2e: {  	_ =	swait.ge [sflag:s14], $0x3000  }
0x2f: {  	[sflag:s14] =	ssyncset.done $0x0  }
0x30: {  	[sflag:s14] =	ssyncadd.s32 $0xFFFFD000  }
0x31: {  	[hbm4b:s7+s28] =	stream.linear.scatter [tilespmem:s16], [sflag:$0x3], $0x3000, $0x38;
	[tilespmem:$0xF000] =	vst v63  }
0x32: {  	_ =	swait.ge [sflag:s17], $0x3000  }
0x33: {  	[sflag:s17] =	ssyncset.done $0x0  }
0x34: {  	s29 =	simm.s32 $0x4900;
	[sflag:s17] =	ssyncadd.s32 $0xFFFFD000  }
0x35: {  	[tilespmem:s13], [sflag:$0x1] =	stream.indirect.gather [hbm4b:s3+s12], $0x60, s29, s12, $0xb8;
	[tilespmem:$0xF000] =	vst v63  }
0x36: {  	_ =	swait.ge [sflag:s14], $0x3000  }
0x37: {  	[sflag:s14] =	ssyncset.done $0x0  }
0x38: {  	s30 =	sadd.s32 $0xFFFFFA00, s9;
	[sflag:s14] =	ssyncadd.s32 $0xFFFFD000  }
0x39: {  	[hbm4b:s30+s2] =	stream.linear.scatter [tilespmem:s13], [sflag:$0x2], $0x3000, $0x38;
	[tilespmem:$0xF000] =	vst v63  }
0x3a: {  	_ =	swait.ge [sflag:s18], $0x3000  }
0x3b: {  	[sflag:s18] =	ssyncset.done $0x0  }
0x3c: {  	s31 =	simm.s32 $0x4980;
	[sflag:s18] =	ssyncadd.s32 $0xFFFFD000  }
0x3d: {  	[tilespmem:s16], [sflag:$0x1] =	stream.indirect.gather [hbm4b:s3+s12], $0x60, s31, s12, $0xb8;
	[tilespmem:$0xF000] =	vst v63  }
0x3e: {  	_ =	swait.ge [sflag:s14], $0x3000  }
0x3f: {  	s22 =	smov.u32 s9;
	[sflag:s14] =	ssyncset.done $0x0  }
0x40: {  	s20 =	simm.s32 $0x400;
	s21 =	sadd.s32 $0xC00, s9;
	[sflag:s14] =	ssyncadd.s32 $0xFFFFD000  }
.LBB2_4:
0x41: {  	[hbm4b:s22+s2] =	stream.linear.scatter [tilespmem:s16], [sflag:$0x3], $0x3000, $0x38;
	[tilespmem:$0xF000] =	vst v63  }
0x42: {  	s23 =	smov.u32 s20;
	s22 =	smov.u32 s21  }
0x43: {  	p0 =	sne.s32 s20, $0x11800;
	s20 =	sadd.s32 $0x400, s20;
	_ =	swait.ge [sflag:s17], $0x3000  }
0x44: {  	s23 =	sshra.s32 s23, $0x2;
	[sflag:s17] =	ssyncset.done $0x0  }
0x45: {  	s24 =	sadd.s32 $0x4900, s23;
	[sflag:s17] =	ssyncadd.s32 $0xFFFFD000  }
0x46: {  	[tilespmem:s13], [sflag:$0x1] =	stream.indirect.gather [hbm4b:s3+s12], $0x60, s24, s12, $0xb8;
	[tilespmem:$0xF000] =	vst v63  }
0x47: {  	_ =	swait.ge [sflag:s14], $0x3000  }
0x48: {  	[sflag:s14] =	ssyncset.done $0x0  }
0x49: {  	s24 =	sadd.s32 $0xFFFFFA00, s21;
	[sflag:s14] =	ssyncadd.s32 $0xFFFFD000  }
0x4a: {  	[hbm4b:s24+s2] =	stream.linear.scatter [tilespmem:s13], [sflag:$0x2], $0x3000, $0x38;
	[tilespmem:$0xF000] =	vst v63  }
0x4b: {  	_ =	swait.ge [sflag:s18], $0x3000  }
0x4c: {  	[sflag:s18] =	ssyncset.done $0x0  }
.Ltmp1:
0x4d: {  	s23 =	sadd.s32 $0x4980, s23;
	[sflag:s18] =	ssyncadd.s32 $0xFFFFD000;
	(pc) =	sbr.rel @p0 .LBB2_4-.Ltmp1, $4  }
0x4e: {  	[tilespmem:s16], [sflag:$0x1] =	stream.indirect.gather [hbm4b:s3+s12], $0x60, s23, s12, $0xb8;
	[tilespmem:$0xF000] =	vst v63  }
0x4f: {  	_ =	swait.ge [sflag:s14], $0x3000  }
0x50: {  	[sflag:s14] =	ssyncset.done $0x0  }
0x51: {  	s21 =	sadd.s32 $0xC00, s21;
	[sflag:s14] =	ssyncadd.s32 $0xFFFFD000  }
0x52: {  	[hbm4b:s22+s2] =	stream.linear.scatter [tilespmem:s16], [sflag:$0x3], $0x3000, $0x38;
	[tilespmem:$0xF000] =	vst v63  }
0x53: {  	s19 =	sadd.s32 $0x1, s19  }
0x54: {  	_ =	swait.ge [sflag:s17], $0x3000;
	p0 =	sne.s32 s19, s8  }
.Ltmp2:
0x55: {  	[sflag:s17] =	ssyncset.done $0x0;
	(pc) =	sbr.rel @p0 .LBB2_1-.Ltmp2, $4  }
0x56: {  	[sflag:s17] =	ssyncadd.s32 $0xFFFFD000  }
0x57: {  	_ =	swait.ge [sflag:s18], $0x3000  }
0x58: {  	[sflag:s18] =	ssyncset.done $0x0  }
0x59: {  	[sflag:s18] =	ssyncadd.s32 $0xFFFFD000  }
0x5a: {  	_ =	sfence.sel $0x180000  }
0x5b: {  	[bflag:$0x0] =	sbarrier.arrive $0xFFFF  }
0x5c: {  	p0 =	sne.s32 s0, $0x0;
	_ =	strace $0x90000047  }
0x5d: {  	s0 =	sadd.s32 @!p0 $0x100000, s1;
	[bflag:$0x2] =	sbarrier.arrive $0xFFFF  }
0x5e: {  	[sflag:s0] =	ssyncadd.tile.s32 @!p0 $0x1;
	_ =	shalt  }
.Lfunc_end2:
_tile_overlayer_lowered:
.L_overlay_start_2:
0x5f: {  	(tag) =	ssettag $0x2  }
0x60: {  	s0 =	rddreg [dreg:$0x0];
	s2 =	stileid.u32  }
0x61: {  	s1 =	rddreg [dreg:$0x1];
	p0 =	sne.s32 s2, $0x0  }
0x62: {  	s3 =	rddreg [dreg:$0x2];
	[bflag:$0x3] =	sbarrier.arrive $0xFFFF;
	s2 =	simm.s32 @!p0 $0x1C04  }
0x63: {  	[timem:s3], [sflag:s2] =	dma.local @!p0 [hbm:s0], s1  }
0x64: {  	s0 =	simm.s32 @!p0 $0x4  }
0x65: {  	_ =	swait.ge @!p0 [sflag:s0], s1  }
0x66: {  	s1 =	ssub.s32 @!p0 $0x0, s1;
	[sflag:s0] =	ssyncset.done @!p0 $0x0  }
0x67: {  	[sflag:s0] =	ssyncadd.s32 @!p0 s1  }
0x68: {  	[bflag:$0x3] =	sbarrier.arrive $0xFFFF  }
0x69: {  	_ =	shalt  }

// kernel: sparse-core-data-format-call.cloned.1.call-start
scs
called_computation_lowered:
.L_overlay_start_0:
0x0: {  	s2 =	sld [smem:$0x3FD9]  }
0x1: {  	s3 =	sld [smem:$0x3FFE];
	_ =	sdelay $0x1  }
0x2: {  	s1 =	srdreg.scid  }
0x3: {  	s0 =	sand.u32 $0x1, s1  }
0x4: {  	s18 =	sshll.u32 s0, $0xA;
	s2 =	sadd.s32 s3, s2  }
0x5: {  	s2 =	sadd.s32 s2, s18  }
0x6: {  	[smem:$0x3FC5] =	sst s2  }
0x7: {  	_ = 	snop  }
0x8: {  	s2 =	sld [smem:$0x3FD0];
	(tm) =	ssettm $0x1  }
0x9: {  	s19 =	sld [smem:$0x3FFB];
	_ =	sdelay $0x3  }
0xa: {  	_ =	strace s19  }
0xb: {  	s3 =	sld [smem:$0x3FFC];
	_ =	sdelay $0x3  }
0xc: {  	_ =	strace s3  }
0xd: {  	s3 =	sld [smem:$0x3FFD];
	_ =	sdelay $0x3  }
0xe: {  	_ =	strace s3  }
0xf: {  	_ =	strace $0x8FFFFFFF  }
0x10: {  	s20 =	sld [smem:$0x3FDB];
	_ =	sdelay $0x1  }
0x11: {  	s4 =	simm.s32 $_scs_section_size  }
0x12: {  	s5 =	simm.s32 $_size__tile_overlayer_lowered;
	s6 =	simm.s32 $_tile_overlayer_lowered  }
0x13: {  	s23 =	simm.s32 $0x1BFF;
	s22 =	sshll.u32 s6, $0x1;
	s3 =	sadd.s32 s4, s20  }
0x14: {  	s7 =	simm.s32 $0x0;
	s21 =	sshll.u32 s5, $0x1;
	s5 =	sadd.s32 s22, s3  }
0x15: {  	[timem:s7], [sflag:s23] =	dma.local [hbm:s5], s21  }
0x16: {  	_ =	swait.ge [sflag:s23], s21  }
0x17: {  	s4 =	ssub.s32 $0x0, s21;
	[sflag:s23] =	ssyncset.done $0x0  }
0x18: {  	[sflag:s23] =	ssyncadd.s32 s4;
	_ =	sdelay $0x1  }
0x19: {  	s24 =	simm.s32 $0x1B8B  }
0x1a: {  	_ =	swait.ge [sflag:s24], $0x1  }
0x1b: {  	[sflag:s24] =	ssyncset.done $0x0  }
0x1c: {  	s26 =	simm.s32 $0x1B8E;
	s25 =	sld [smem:$0x3FFE];
	[sflag:s24] =	ssyncadd.s32 $0xFFFFFFFF  }
0x1d: {  	s27 =	simm.s32 $execute0_lowered;
	[smem:$0x3FD2] =	sst s26  }
0x1e: {  	s5 =	sshll.u32 s27, $0x1;
	_ =	strace $0x80000049;
	[dreg:$0x1] =	wrdreg $0xFFFFFFFF  }
0x1f: {  	s28 =	simm.s32 $_size_execute0_lowered;
	s3 =	sadd.s32 s3, s5;
	[dreg:$0x0] =	wrdreg $0x0  }
0x20: {  	s5 =	sshll.u32 s28, $0x1;
	[dreg:$0x2] =	wrdreg s3  }
0x21: {  	[dreg:$0x3] =	wrdreg s5  }
0x22: {  	[dreg:$0x4] =	wrdreg $0xC0  }
0x23: {  	_ =	task [dreg:s7], $0x5FFFF  }
0x24: {  	[dreg:$0x1] =	wrdreg $0xFFFFFFFF  }
0x25: {  	[dreg:$0x0] =	wrdreg $0x60  }
0x26: {  	[dreg:$0x2] =	wrdreg s25  }
0x27: {  	[dreg:$0x3] =	wrdreg s2  }
0x28: {  	[dreg:$0x4] =	wrdreg $0x9  }
0x29: {  	_ =	task.clear_ibuf [dreg:s7], $0x5FFFF;
	_ =	strace $0x90000049  }
0x2a: {  	s29 =	simm.s32 $0x9;
	_ =	strace $0x8000004B  }
0x2b: {  	_ =	swait.ge [sflag:s29], $0x1  }
0x2c: {  	[sflag:s29] =	ssyncadd.s32 $0xFFFFFFFF  }
0x2d: {  	_ =	strace $0x9000004B  }
0x2e: {  	_ =	sfence  }
0x2f: {  	s30 =	sld [smem:$0x0];
	_ =	sdelay $0x2  }
0x30: {  	s31 =	sshll.u32 s1, $0xD;
	s1 =	sshrl.u32 s1, $0x2  }
0x31: {  	s3 =	sand.u32 $0x4000, s31;
	s1 =	sadd.s32 s1, s30  }
0x32: {  	s0 =	sor.u32 s3, s0;
	s1 =	sshll.u32 s1, $0x11  }
0x33: {  	s0 =	sor.u32 s1, s0  }
0x34: {  	s0 =	sadd.s32 $0x8F2B, s0  }
0x35: {  	[sflag:s0] =	ssyncadd.remote.s32 $0x1  }
0x36: {  	_ =	sfence.sel $0xFFFF  }
0x37: {  	[dreg:$0x0] =	wrdreg $0xFFFFFFFF;
	(pc) =	sbr.abs _section_cstart, $3  }
0x38: {  	[dreg:$0x1] =	wrdreg $0xFFFFFFFF  }
0x39: {  	_ =	task.clear_ibuf [dreg:s7], $0x2FFFF;
	_ =	strace $0x9FFFFFFF  }
0x3a: {  	(tm) =	ssettm $0x7FFFFFFF  }
0x3b: {  	_ =	shalt  }
tec
execute0_lowered:
.L_overlay_start_1:
0x0: {  	(tag) =	ssettag $0x1  }
0x1: {  	s4 =	rddreg [dreg:$0x0]  }
0x2: {  	s0 =	stileid.u32;
	s2 =	rddreg [dreg:$0x1]  }
0x3: {  	s7 =	srdreg.scid;
	s8 =	simm.s32 $0x2;
	s16 =	simm.s32 $0x0  }
0x4: {  	s9 =	simm.s32 $0x2000;
	s15 =	simm.s32 $0x0;
	s1 =	sshll.u32 s0, $0x7  }
0x5: {  	s10 =	simm.s32 $0x0;
	s11 =	simm.s32 $0x0;
	s3 =	sand.u32 $0x380, s1  }
0x6: {  	s14 =	simm.s32 $0x0;
	s7 =	sshll.u32 s7, $0x4;
	s5 =	ssub.s32 $0x400, s3  }
0x7: {  	s4 =	sadd.s32 $0xA00, s4;
	s1 =	rddreg [dreg:$0x2];
	s6 =	sand.u32 $0x380, s5  }
0x8: {  	s7 =	sand.u32 $0x10, s7;
	p0 =	sne.s32 s6, $0x0;
	s6 =	simm.s32 $0x1  }
.Ltmp0:
0x9: {  	s5 =	sshrl.u32 s5, $0xA;
	s6 =	simm.s32 @!p0 $0x0;
	(pc) =	sbr.rel .LBB1_1-.Ltmp0, $4  }
0xa: {  	_ =	strace $0x8000004A;
	s7 =	sor.u32 s0, s7;
	s6 =	sadd.s32 s6, s5  }
0xb: {  	s7 =	sshrl.u32 s7, $0x3;
	s5 =	simm.s32 $0x1;
	s6 =	smul.u32 $0x90, s6  }
0xc: {  	s13 =	smov.u32 s3;
	s12 =	smov.u32 s7;
	[sflag:s5] =	ssyncpa.u1 $0x0  }
0xd: {  	p0 =	por $0x0, $0x0;
	[sflag:s8] =	ssyncpa.u1 $0x0;
	s8 =	sor.u32 $0x1, s6  }
.LBB1_4:
0xe: {  	s21 =	sshra.s32 s21, $0x2  }
0xf: {  	v5 =	vld [tilespmem:s18+$0xFFFFFFD0];
	s30 =	sshrl.u32 s11, $0x7;
	p1 =	sgt.s32 s10, $0x23F;
	s22 =	smov.u32 s10  }
0x10: {  	[tilespmem:s19+$0x2040 ss:$0x81] =	vst.msk $0xffff, v4;
	s23 =	sshra.s32 s10, $0x1F;
	v58 =	vld [tilespmem:s18+$0xFFFFFFE0];
	s25 =	sshra.s32 s11, $0x1F;
	s27 =	smul.u32 $0x3000, s10  }
0x11: {  	[tilespmem:s19+$0x2850 ss:$0x81] =	vst.msk $0xffff, v3;
	v59 =	vld [tilespmem:s18+$0xFFFFFFF0];
	s28 =	sshrl.u32 s11, $0x3;
	s20 =	sadd.s32 s21, s20;
	s21 =	sand.u32 $0x3FFFFF, s30  }
0x12: {  	[tilespmem:s19+$0x3060 ss:$0x81] =	vst.msk $0xffff, v2;
	v60 =	vld [tilespmem:s18+$0x0];
	s22 =	simm.s32 @!p1 $0x23F;
	s23 =	sand.u32 s23, s10;
	p1 =	sgt.s32 s11, $0x380  }
0x13: {  	[tilespmem:s19+$0x0 ss:$0x81] =	vst.msk $0xffff, v1;
	v61 =	vld [tilespmem:s18+$0x10];
	s25 =	sand.u32 s25, s11;
	s22 =	ssub.s32 s22, s23;
	s23 =	smov.u32 s11  }
0x14: {  	s24 =	smulhi.u32 $0x2AAAAAB, s21;
	[tilespmem:s20+$0x3870 ss:$0x81] =	vst.msk $0xffff, v0;
	s31 =	ssub.s32 $0x240, s22;
	s23 =	simm.s32 @!p1 $0x380  }
0x15: {  	v62 =	vld [tilespmem:s18+$0x20];
	s22 =	sadd.s32 $0xFFFFFDC1, s22;
	s23 =	ssub.s32 s23, s25;
	s19 =	smul.u32 $0x60, s31;
	[tilespmem:s20+$0x810 ss:$0x81] =	vst.msk $0xffff, v5  }
0x16: {  	v63 =	vld [tilespmem:s18+$0xFFFFFFC0];
	s24 =	smul.u32 $0x60, s24;
	p1 =	sgt.s32 s22, $0x0;
	s26 =	sadd.s32 $0xFFFFFC80, s23;
	[tilespmem:s20+$0x1020 ss:$0x81] =	vst.msk $0xffff, v58  }
0x17: {  	s18 =	ssub.s32 $0x400, s23;
	[tilespmem:s20+$0x1830 ss:$0x81] =	vst.msk $0xffff, v59;
	s19 =	simm.s32 @p1 $0x0;
	p1 =	sgt.s32 s26, $0x7F  }
0x18: {  	s29 =	sand.u32 $0x7, s11;
	s22 =	sadd.s32 s2, s27;
	[tilespmem:s20+$0x2040 ss:$0x81] =	vst.msk $0xffff, v60;
	s18 =	simm.s32 @p1 $0x0  }
0x19: {  	[tilespmem:s20+$0x2850 ss:$0x81] =	vst.msk $0xffff, v61;
	s21 =	ssub.s32 s21, s24;
	s18 =	smul.u32 s18, s19;
	s19 =	sand.u32 $0xF, s28  }
0x1a: {  	s30 =	sshll.u32 s29, $0x12;
	[tilespmem:s20+$0x3060 ss:$0x81] =	vst.msk $0xffff, v62;
	s21 =	sshll.u32 s21, $0x7;
	s19 =	sadd.s32 s19, s22  }
0x1b: {  	s31 =	sor.u32 $0x400, s30;
	[tilespmem:s20+$0x0 ss:$0x81] =	vst.msk $0xffff, v63;
	s18 =	sand.u32 $0x3FFFFFE0, s18;
	s19 =	sadd.s32 s21, s19  }
0x1c: {  	[hbm4b:s19+s31] =	stream.strided.scatter [tilespmem:s17], [sflag:$0x2], s18, s9, s31, $0x20;
	[tilespmem:$0x10100] =	vst v63  }
.LBB1_5:
0x1d: {  	p1 =	slt.u32 s14, $0x2  }
0x1e: {  	s18 =	smov.u32 s16;
	p2 =	sgt.s32 @!p1 s16, $0x23F;
	s17 =	sshra.s32 @!p1 s16, $0x1F  }
0x1f: {  	p3 =	sgt.s32 @!p1 s15, $0x380;
	s19 =	sshra.s32 @!p1 s15, $0x1F;
	p2 =	por !p2, p1  }
0x20: {  	s16 =	sand.u32 @!p1 s17, s16;
	p3 =	por !p3, p1;
	s17 =	smov.u32 s15  }
0x21: {  	s15 =	sand.u32 @!p1 s19, s15;
	s18 =	simm.s32 @p2 $0x23F;
	s17 =	simm.s32 @p3 $0x380  }
0x22: {  	s19 =	smov.u32 s13;
	s16 =	ssub.s32 @!p1 s18, s16;
	s15 =	ssub.s32 @!p1 s17, s15  }
0x23: {  	s17 =	sadd.s32 @!p1 $0xFFFFFDC1, s16;
	s16 =	ssub.s32 @!p1 $0x240, s16;
	s18 =	sadd.s32 @!p1 $0xFFFFFC80, s15  }
0x24: {  	p2 =	sgt.s32 @!p1 s17, $0x0;
	s16 =	smul.u32 @!p1 $0x60, s16;
	p3 =	sgt.s32 @!p1 s18, $0x7F  }
0x25: {  	s15 =	ssub.s32 @!p1 $0x400, s15;
	p2 =	por !p2, p1;
	p3 =	por !p3, p1  }
0x26: {  	s17 =	sadd.s32 $0x4, s12;
	s16 =	simm.s32 @!p2 $0x0;
	s15 =	simm.s32 @!p3 $0x0  }
0x27: {  	p2 =	sgt.s32 s17, $0x23F;
	s15 =	smul.u32 @!p1 s15, s16;
	s16 =	sadd.s32 $0x400, s13  }
0x28: {  	s19 =	smov.u32 @p2 s16  }
0x29: {  	s17 =	smov.u32 @p2 s7;
	p2 =	sgt.s32 s19, $0x3FF  }
0x2a: {  	s19 =	smov.u32 @p2 s3;
	p2 =	sne.s32 s14, s8  }
.Ltmp1:
0x2b: {  	p0 =	por !p0, !p0;
	s18 =	simm.s32 @!p1 $0x2;
	(pc) =	sbr.rel @!p2 .LBB1_6-.Ltmp1, $4  }
0x2c: {  	s16 =	smov.u32 s10;
	s10 =	smov.u32 s12;
	s15 =	sand.u32 @!p1 $0x3FFFFFE0, s15  }
0x2d: {  	s12 =	smov.u32 s17;
	_ =	swait.ge @!p1 [sflag:s18], s15;
	s20 =	ssub.s32 @!p1 $0x0, s15  }
0x2e: {  	s15 =	smov.u32 s11;
	s14 =	sadd.s32 $0x1, s14;
	[sflag:s18] =	ssyncset.done @!p1 $0x0  }
0x2f: {  	s11 =	smov.u32 s13;
	s13 =	smov.u32 s19;
	[sflag:s18] =	ssyncadd.s32 @!p1 s20  }
.LBB1_1:
0x30: {  	p1 =	sge.u32 s14, s6  }
0x31: {  	s17 =	sand.u32 @!p1 $0x1FFFFFF, s12  }
0x32: {  	s18 =	smulhi.u32 @!p1 $0xE38E39, s17;
	_ =	sdelay $0x1  }
0x33: {  	s18 =	sshrl.u32 @!p1 s18, $0x1  }
0x34: {  	s18 =	smul.u32 @!p1 $0x240, s18  }
0x35: {  	s19 =	sxor.u32 @!p1 $0xFFFFFFFF, s14;
	s20 =	smul.u32 @!p1 $0x2400, s13  }
0x36: {  	s31 =	sadd.s32 $0xFFFFFFFF, s14;
	s19 =	sshll.u32 @!p1 s19, $0xE;
	s17 =	ssub.s32 @!p1 s17, s18  }
0x37: {  	s18 =	sand.u32 @!p1 $0x4000, s19;
	s19 =	sadd.s32 @!p1 s4, s20;
	s17 =	sshll.u32 @!p1 s17, $0x4  }
0x38: {  	s20 =	simm.s32 @!p1 $0x12000;
	s17 =	sadd.s32 @!p1 s17, s19;
	s19 =	simm.s32 @!p1 $0x80  }
0x39: {  	[tilespmem:s18], [sflag:$0x1] =	stream.strided.gather @!p1 [hbm4b:s17+s19], $0x4000, s20, s19, $0x38;
	[tilespmem:$0x10100] =	vst v63  }
0x3a: {  	p1 =	sge.u32 s31, s6  }
.Ltmp2:
0x3b: {  	_ = 	snop;
	(pc) =	sbr.rel @p1 .LBB1_5-.Ltmp2, $1  }
0x3c: {  	_ =	sdelay $0x3  }
0x3d: {  	s17 =	simm.s32 $0x1  }
0x3e: {  	_ =	swait.ge [sflag:s5], $0x4000;
	s17 =	simm.s32 @!p0 $0x0  }
0x3f: {  	[sflag:s5] =	ssyncset.done $0x0;
	s18 =	sshll.u32 s17, $0xE  }
0x40: {  	[sflag:s5] =	ssyncadd.s32 $0xFFFFC000;
	s18 =	sor.u32 $0x40, s18  }
0x41: {  	s17 =	smul.u32 $0x10200, s17;
	v0 =	vld [tilespmem:s18+$0x30]  }
0x42: {  	v1 =	vld [tilespmem:s18+$0xFFFFFFD0]  }
0x43: {  	s17 =	sshrl.u32 s17, $0x2;
	v5 =	vld [tilespmem:s18+$0xFFFFFFE0]  }
0x44: {  	v6 =	vld [tilespmem:s18+$0xFFFFFFF0];
	s20 =	sor.u32 $0x8000, s17  }
0x45: {  	s31 =	sand.u32 $0x1, s14;
	v4 =	vld [tilespmem:s18+$0x0];
	s19 =	sadd.s32 $0x0, s20  }
0x46: {  	v3 =	vld [tilespmem:s18+$0x10];
	s17 =	smul.u32 $0x10200, s31;
	[tilespmem:s19+$0x3870 ss:$0x81] =	vst.msk $0xffff, v0  }
0x47: {  	v2 =	vld [tilespmem:s18+$0x20];
	[tilespmem:s19+$0x810 ss:$0x81] =	vst.msk $0xffff, v1  }
0x48: {  	s17 =	sshrl.u32 s17, $0x2;
	v1 =	vld [tilespmem:s18+$0xFFFFFFC0];
	[tilespmem:s19+$0x1020 ss:$0x81] =	vst.msk $0xffff, v5;
	s18 =	sadd.s32 $0x80, s18  }
0x49: {  	s21 =	simm.s32 $0x4;
	s22 =	simm.s32 $0x8;
	s17 =	sor.u32 $0x8000, s17;
	[tilespmem:s19+$0x1830 ss:$0x81] =	vst.msk $0xffff, v6;
	v0 =	vld [tilespmem:s18+$0x30]  }
.LBB1_3:
0x4a: {  	p1 =	sne.s32 s22, $0x1FC;
	v5 =	vld [tilespmem:s18+$0xFFFFFFD0];
	[tilespmem:s19+$0x2040 ss:$0x81] =	vst.msk $0xffff, v4  }
0x4b: {  	v6 =	vld [tilespmem:s18+$0xFFFFFFE0];
	[tilespmem:s19+$0x2850 ss:$0x81] =	vst.msk $0xffff, v3  }
0x4c: {  	s23 =	sshra.s32 s21, $0x2;
	s21 =	smov.u32 s22;
	v7 =	vld [tilespmem:s18+$0xFFFFFFF0];
	[tilespmem:s19+$0x3060 ss:$0x81] =	vst.msk $0xffff, v2  }
.Ltmp3:
0x4d: {  	v4 =	vld [tilespmem:s18+$0x0];
	[tilespmem:s19+$0x0 ss:$0x81] =	vst.msk $0xffff, v1;
	s19 =	sadd.s32 s23, s20;
	(pc) =	sbr.rel @p1 .LBB1_3-.Ltmp3, $4  }
0x4e: {  	v3 =	vld [tilespmem:s18+$0x10];
	[tilespmem:s19+$0x3870 ss:$0x81] =	vst.msk $0xffff, v0  }
0x4f: {  	[tilespmem:s19+$0x810 ss:$0x81] =	vst.msk $0xffff, v5;
	v2 =	vld [tilespmem:s18+$0x20]  }
0x50: {  	v1 =	vld [tilespmem:s18+$0xFFFFFFC0];
	[tilespmem:s19+$0x1020 ss:$0x81] =	vst.msk $0xffff, v6;
	s18 =	sadd.s32 $0x80, s18  }
0x51: {  	s22 =	sadd.s32 $0x4, s22;
	v0 =	vld [tilespmem:s18+$0x30];
	[tilespmem:s19+$0x1830 ss:$0x81] =	vst.msk $0xffff, v7  }
.Ltmp4:
0x52: {  	_ = 	snop;
	(pc) =	sbr.rel .LBB1_4-.Ltmp4, $1  }
0x53: {  	_ =	sdelay $0x3  }
.LBB1_6:
0x54: {  	_ =	sfence.sel $0x180000  }
0x55: {  	s2 =	simm.s32 $0x1;
	[bflag:$0x0] =	sbarrier.arrive $0xFFFF  }
0x56: {  	s31 =	simm.s32 $0x2;
	[sflag:s2] =	ssyncpa.u1 $0x1  }
0x57: {  	[sflag:s31] =	ssyncpa.u1 $0x1  }
0x58: {  	p0 =	sne.s32 s0, $0x0;
	_ =	strace $0x9000004A  }
0x59: {  	s0 =	sadd.s32 @!p0 $0x100000, s1;
	[bflag:$0x2] =	sbarrier.arrive $0xFFFF  }
0x5a: {  	[sflag:s0] =	ssyncadd.tile.s32 @!p0 $0x1;
	_ =	shalt  }
.Lfunc_end1:
_tile_overlayer_lowered:
.L_overlay_start_2:
0x5b: {  	(tag) =	ssettag $0x2  }
0x5c: {  	s0 =	rddreg [dreg:$0x0];
	s2 =	stileid.u32  }
0x5d: {  	s1 =	rddreg [dreg:$0x1];
	p0 =	sne.s32 s2, $0x0  }
0x5e: {  	s3 =	rddreg [dreg:$0x2];
	[bflag:$0x3] =	sbarrier.arrive $0xFFFF;
	s2 =	simm.s32 @!p0 $0x1C01  }
0x5f: {  	[timem:s3], [sflag:s2] =	dma.local @!p0 [hbm:s0], s1  }
0x60: {  	s0 =	simm.s32 @!p0 $0x1  }
0x61: {  	_ =	swait.ge @!p0 [sflag:s0], s1  }
0x62: {  	s1 =	ssub.s32 @!p0 $0x0, s1;
	[sflag:s0] =	ssyncset.done @!p0 $0x0  }
0x63: {  	[sflag:s0] =	ssyncadd.s32 @!p0 s1  }
0x64: {  	[bflag:$0x3] =	sbarrier.arrive $0xFFFF  }
0x65: {  	_ =	shalt  }

</sc_bundles>
